<compile_context>
chip_gen: v7x
topology: tpu7x:2x2x1
jax: 0.10.2.dev20260603
libtpu: 0.0.44.dev20260713+nightly
codegen_flags: <defaults>
</compile_context>

<pallas_src>
import functools

import jax
import jax.numpy as jnp
from jax import lax
from jax.experimental import pallas as pl
from jax.experimental.pallas import tpu as pltpu
from jax.experimental.pallas import tpu_sc as plsc

NUM_GROUPS = 2
NUM_VARS = 320
ROW_BLOCK = 512

_NC, _NS = 1, 16
_NW = _NC * _NS


def _tc_body(x_ref, w_ref, b_ref, idx0_ref, idx1_ref, ppl_ref, counts_ref):
    i = pl.program_id(0)
    n = pl.num_programs(0)

    @pl.when(i == 0)
    def _():
        counts_ref[...] = jnp.zeros_like(counts_ref)

    x = x_ref[...]
    rows = x.shape[0]
    logits = jnp.dot(x, w_ref[...], preferred_element_type=jnp.float32)
    logits = logits + b_ref[...]
    colf = lax.broadcasted_iota(jnp.int32, (rows, NUM_VARS), 1).astype(jnp.float32)
    idx_refs = (idx0_ref, idx1_ref)
    for g in range(NUM_GROUPS):
        lg = lax.slice(logits, (0, g * NUM_VARS), (rows, (g + 1) * NUM_VARS))
        m = jnp.max(lg, axis=1, keepdims=True)
        idxf = jnp.min(jnp.where(lg == m, colf, jnp.float32(NUM_VARS)), axis=1)
        onehot = (colf == idxf[:, None]).astype(jnp.float32)
        counts_ref[g : g + 1, :] += jnp.sum(onehot, axis=0, keepdims=True)
        idx_refs[g][...] = idxf.astype(jnp.int32) + g * NUM_VARS

    @pl.when(i == n - 1)
    def _():
        total = jnp.float32(n * rows)
        p = counts_ref[0:NUM_GROUPS, :] / total
        neg_ent = jnp.sum(p * jnp.log(p + 1e-7), axis=1)
        ppl_ref[0, 0] = jnp.sum(jnp.exp(-neg_ent))


def _tc_quantize(x2d, w, b1d):
    n_rows = x2d.shape[0]
    grid = (n_rows // ROW_BLOCK,)
    return pl.pallas_call(
        _tc_body,
        grid=grid,
        in_specs=[
            pl.BlockSpec((ROW_BLOCK, x2d.shape[1]), lambda i: (i, 0)),
            pl.BlockSpec(w.shape, lambda i: (0, 0)),
            pl.BlockSpec(b1d.shape, lambda i: (0,)),
        ],
        out_specs=[
            pl.BlockSpec((ROW_BLOCK,), lambda i: (i,)),
            pl.BlockSpec((ROW_BLOCK,), lambda i: (i,)),
            pl.BlockSpec(memory_space=pltpu.SMEM),
        ],
        out_shape=[
            jax.ShapeDtypeStruct((n_rows,), jnp.int32),
            jax.ShapeDtypeStruct((n_rows,), jnp.int32),
            jax.ShapeDtypeStruct((1, 1), jnp.float32),
        ],
        scratch_shapes=[pltpu.VMEM((8, NUM_VARS), jnp.float32)],
        compiler_params=pltpu.CompilerParams(
            dimension_semantics=("arbitrary",),
        ),
    )(x2d, w, b1d)


def _sc_combine(table, idx0, idx1):
    n_rows = idx0.shape[0]
    d = table.shape[1]
    r_per_w = n_rows // _NW
    mesh = plsc.VectorSubcoreMesh(core_axis_name="c", subcore_axis_name="s", num_cores=1)

    half = _NW // NUM_GROUPS
    n_per_w = n_rows // half

    @functools.partial(
        pl.kernel,
        mesh=mesh,
        out_type=jax.ShapeDtypeStruct((n_rows, NUM_GROUPS * d), jnp.float32),
        scratch_types=[
            pltpu.VMEM((n_per_w,), jnp.int32),
            pltpu.VMEM((n_per_w, d), jnp.float32),
            pltpu.SemaphoreType.DMA,
        ],
    )
    def k(table_hbm, idx0_hbm, idx1_hbm, out_hbm, idx_v, rows_v, sem_g):
        wid = lax.axis_index("s") * _NC + lax.axis_index("c")
        grp = wid // half
        base = (wid % half) * n_per_w
        col = grp * d

        @pl.when(grp == 0)
        def _():
            pltpu.sync_copy(idx0_hbm.at[pl.ds(base, n_per_w)], idx_v)

        @pl.when(grp == 1)
        def _():
            pltpu.sync_copy(idx1_hbm.at[pl.ds(base, n_per_w)], idx_v)

        pltpu.async_copy(table_hbm.at[idx_v], rows_v, sem_g).wait()
        pltpu.sync_copy(rows_v, out_hbm.at[pl.ds(base, n_per_w), pl.ds(col, d)])

    return k(table, idx0, idx1)


def kernel(hidden_states, W_proj, b_proj, codevectors):
    batch, seq, hidden = hidden_states.shape
    x2d = hidden_states.reshape(batch * seq, hidden)
    idx0, idx1, ppl = _tc_quantize(x2d, W_proj, b_proj)

    d = codevectors.shape[-1]
    table = codevectors.reshape(NUM_GROUPS * NUM_VARS, d)
    cv2d = _sc_combine(table, idx0, idx1)
    cv = cv2d.reshape(batch, seq, NUM_GROUPS * d)
    return cv, ppl.reshape(())

# --- scband reference (transcript-rebuilt; emitter-appended) ---
"""Pipeline reference for scband-wav2-vec2-gumbel-vector-quantizer-16578573763565 (READ-ONLY COPY).

The authoritative reference and input builder live on the scoring server;
editing this copy changes nothing except your own understanding.
"""

import jax, jax.numpy as jnp
import numpy as np

NUM_GROUPS = 2
NUM_VARS = 320
CODEVECTOR_DIM = 256
HIDDEN = 512
B, S = 4, 512


def setup_inputs(seed: int = 0) -> dict:
    key = jax.random.key(seed)
    k1, k2, k3 = jax.random.split(key, 3)
    hidden_states = jax.random.normal(k1, (B, S, HIDDEN), dtype=jnp.float32)
    W_proj = jax.random.normal(k2, (HIDDEN, NUM_GROUPS * NUM_VARS), dtype=jnp.float32) * 0.02
    b_proj = jnp.zeros((NUM_GROUPS * NUM_VARS,), dtype=jnp.float32)
    codevectors = jax.random.normal(k3, (1, NUM_GROUPS * NUM_VARS, CODEVECTOR_DIM // NUM_GROUPS), dtype=jnp.float32)
    return {"hidden_states": hidden_states, "W_proj": W_proj, "b_proj": b_proj, "codevectors": codevectors}


def reference(hidden_states, W_proj, b_proj, codevectors):
    # eval-mode forward (deterministic): argmax hard one-hot quantization
    batch_size, seq_len, hidden_size = hidden_states.shape
    hs = hidden_states @ W_proj + b_proj  # [B, S, G*V]
    hs = hs.reshape(batch_size * seq_len * NUM_GROUPS, -1)  # [B*S*G, V]
    codevector_idx = jnp.argmax(hs, axis=-1)
    codevector_probs = jax.nn.one_hot(codevector_idx, NUM_VARS, dtype=hs.dtype)  # [B*S*G, V]
    probs_g = codevector_probs.reshape(batch_size * seq_len, NUM_GROUPS, -1)
    # perplexity (no mask)
    marginal_probs = probs_g.mean(axis=0)
    perplexity_per_codebook = jnp.exp(-jnp.sum(marginal_probs * jnp.log(marginal_probs + 1e-07), axis=-1))
    perplexity = perplexity_per_codebook.sum()
    # combine codevectors
    cp = probs_g.reshape(batch_size * seq_len, -1)  # [B*S, G*V]
    codevectors_per_group = cp[:, :, None] * codevectors  # [B*S, G*V, d]
    cv = codevectors_per_group.reshape(batch_size * seq_len, NUM_GROUPS, NUM_VARS, -1)
    cv = cv.sum(axis=-2)
    cv = cv.reshape(batch_size, seq_len, -1)
    return (cv, perplexity)

if __name__ == "__main__":
    import jax
    _d = setup_inputs()
    print(jax.jit(kernel)(*tuple(_d.values())))

</pallas_src>

<mosaic_0001>
#map = affine_map<(d0, d1) -> (0, 0)>
#map1 = affine_map<(d0, d1) -> (0)>
module attributes {stable_mosaic.version = 14 : i64} {
  func.func @k(%arg0: i32, %arg1: i32, %arg2: memref<640x128xf32, #tpu.memory_space<hbm>>, %arg3: memref<2048xi32, #tpu.memory_space<hbm>>, %arg4: memref<2048xi32, #tpu.memory_space<hbm>>, %arg5: memref<2048x256xf32, #tpu.memory_space<hbm>>, %arg6: memref<256xi32, #tpu.memory_space<vmem>>, %arg7: memref<256x128xf32, #tpu.memory_space<vmem>>, %arg8: memref<!tpu.dma_semaphore, #tpu.memory_space<semaphore_mem>>) attributes {dimension_semantics = [#tpu.dimension_semantics<core_parallel>, #tpu.dimension_semantics<subcore_parallel>], iteration_bounds = array<i64: 1, 16>, scalar_prefetch = 0 : i64, scratch_operands = 3 : i64, tpu.core_type = #tpu.core_type<sc_vector_subcore>, window_params = [{transform_indices = #map}, {transform_indices = #map1}, {transform_indices = #map1}, {transform_indices = #map}]} {
    %mul3A = arith.constant 1 : i32
    %mul3A_0 = arith.muli %arg1, %mul3A : i32
    %add3A = arith.addi %mul3A_0, %arg0 : i32
    %jit3A = arith.constant 8 : i32
    %div3A = arith.divsi %add3A, %jit3A : i32
    %sign3A = arith.constant 0 : i32
    %sign3A_1 = arith.cmpi sgt, %add3A, %sign3A : i32
    %sign3A_2 = arith.extui %sign3A_1 : i1 to i32
    %sign3A_3 = arith.constant 0 : i32
    %sign3A_4 = arith.cmpi slt, %add3A, %sign3A_3 : i32
    %sign3A_5 = arith.extui %sign3A_4 : i1 to i32
    %sign3A_6 = arith.subi %sign3A_2, %sign3A_5 : i32
    %sign3A_7 = arith.constant 0 : i32
    %sign3A_8 = arith.cmpi sgt, %jit3A, %sign3A_7 : i32
    %sign3A_9 = arith.extui %sign3A_8 : i1 to i32
    %sign3A_10 = arith.constant 0 : i32
    %sign3A_11 = arith.cmpi slt, %jit3A, %sign3A_10 : i32
    %sign3A_12 = arith.extui %sign3A_11 : i1 to i32
    %sign3A_13 = arith.subi %sign3A_9, %sign3A_12 : i32
    %ne3A = arith.cmpi ne, %sign3A_6, %sign3A_13 : i32
    %rem3A = arith.remsi %add3A, %jit3A : i32
    %ne3A_14 = arith.constant 0 : i32
    %ne3A_15 = arith.cmpi ne, %rem3A, %ne3A_14 : i32
    %and3A = arith.andi %ne3A, %ne3A_15 : i1
    %sub3A = arith.constant 1 : i32
    %sub3A_16 = arith.subi %div3A, %sub3A : i32
    %select_n3A = arith.select %and3A, %sub3A_16, %div3A : i32
    %jit3A_17 = arith.constant 8 : i32
    %eq3A = arith.constant 0 : i32
    %eq3A_18 = arith.cmpi eq, %jit3A_17, %eq3A : i32
    %jit3A_19 = arith.constant 1 : i32
    %select_n3A_20 = arith.select %eq3A_18, %jit3A_19, %jit3A_17 : i32
    %rem3A_21 = arith.remsi %add3A, %select_n3A_20 : i32
    %ne3A_22 = arith.constant 0 : i32
    %ne3A_23 = arith.cmpi ne, %rem3A_21, %ne3A_22 : i32
    %lt3A = arith.constant 0 : i32
    %lt3A_24 = arith.cmpi slt, %rem3A_21, %lt3A : i32
    %lt3A_25 = arith.constant 0 : i32
    %lt3A_26 = arith.cmpi slt, %select_n3A_20, %lt3A_25 : i32
    %ne3A_27 = arith.xori %lt3A_24, %lt3A_26 : i1
    %and3A_28 = arith.andi %ne3A_27, %ne3A_23 : i1
    %add3A_29 = arith.addi %rem3A_21, %select_n3A_20 : i32
    %select_n3A_30 = arith.select %and3A_28, %add3A_29, %rem3A_21 : i32
    %mul3A_31 = arith.constant 256 : i32
    %mul3A_32 = arith.muli %select_n3A_30, %mul3A_31 : i32
    %mul3A_33 = arith.constant 128 : i32
    %mul3A_34 = arith.muli %select_n3A, %mul3A_33 : i32
    %eq3A_35 = arith.constant 0 : i32
    %eq3A_36 = arith.cmpi eq, %select_n3A, %eq3A_35 : i32
    %convert_element_type3A = arith.extui %eq3A_36 : i1 to i32
    %cond3A = arith.constant 0 : i32
    %cond3A_37 = arith.cmpi ne, %convert_element_type3A, %cond3A : i32
    scf.if %cond3A_37 {
      "tpu.region"() ({
        %run_scoped3A = tpu.sem_alloc : memref<!tpu.dma_semaphore, #tpu.memory_space<semaphore_mem>>
        %dma_start3A_47 = tpu.memref_slice %arg3[%mul3A_32] : memref<2048xi32, #tpu.memory_space<hbm>> -> memref<256xi32, #tpu.memory_space<hbm>>
        %dma_start3A_48 = tpu.memref_slice %arg3[%mul3A_32] : memref<2048xi32, #tpu.memory_space<hbm>> -> memref<256xi32, #tpu.memory_space<hbm>>
        tpu.enqueue_dma source(%dma_start3A_48 : memref<256xi32, #tpu.memory_space<hbm>>) target(%arg6 : memref<256xi32, #tpu.memory_space<vmem>>) target_semaphore(%run_scoped3A : memref<!tpu.dma_semaphore, #tpu.memory_space<semaphore_mem>>)
        %dma_wait3A_49 = tpu.memref_slice %arg3[%mul3A_32] : memref<2048xi32, #tpu.memory_space<hbm>> -> memref<256xi32, #tpu.memory_space<hbm>>
        %dma_wait3A_50 = tpu.memref_slice %arg3[%mul3A_32] : memref<2048xi32, #tpu.memory_space<hbm>> -> memref<256xi32, #tpu.memory_space<hbm>>
        tpu.wait_dma2 semaphore(%run_scoped3A : memref<!tpu.dma_semaphore, #tpu.memory_space<semaphore_mem>>) src(%dma_wait3A_50 : memref<256xi32, #tpu.memory_space<hbm>>) dst(%arg6 : memref<256xi32, #tpu.memory_space<vmem>>)
        tpu.yield
      }) : () -> ()
    } else {
    }
    %eq3A_38 = arith.constant 1 : i32
    %eq3A_39 = arith.cmpi eq, %select_n3A, %eq3A_38 : i32
    %convert_element_type3A_40 = arith.extui %eq3A_39 : i1 to i32
    %cond3A_41 = arith.constant 0 : i32
    %cond3A_42 = arith.cmpi ne, %convert_element_type3A_40, %cond3A_41 : i32
    scf.if %cond3A_42 {
      "tpu.region"() ({
        %run_scoped3A = tpu.sem_alloc : memref<!tpu.dma_semaphore, #tpu.memory_space<semaphore_mem>>
        %dma_start3A_47 = tpu.memref_slice %arg4[%mul3A_32] : memref<2048xi32, #tpu.memory_space<hbm>> -> memref<256xi32, #tpu.memory_space<hbm>>
        %dma_start3A_48 = tpu.memref_slice %arg4[%mul3A_32] : memref<2048xi32, #tpu.memory_space<hbm>> -> memref<256xi32, #tpu.memory_space<hbm>>
        tpu.enqueue_dma source(%dma_start3A_48 : memref<256xi32, #tpu.memory_space<hbm>>) target(%arg6 : memref<256xi32, #tpu.memory_space<vmem>>) target_semaphore(%run_scoped3A : memref<!tpu.dma_semaphore, #tpu.memory_space<semaphore_mem>>)
        %dma_wait3A_49 = tpu.memref_slice %arg4[%mul3A_32] : memref<2048xi32, #tpu.memory_space<hbm>> -> memref<256xi32, #tpu.memory_space<hbm>>
        %dma_wait3A_50 = tpu.memref_slice %arg4[%mul3A_32] : memref<2048xi32, #tpu.memory_space<hbm>> -> memref<256xi32, #tpu.memory_space<hbm>>
        tpu.wait_dma2 semaphore(%run_scoped3A : memref<!tpu.dma_semaphore, #tpu.memory_space<semaphore_mem>>) src(%dma_wait3A_50 : memref<256xi32, #tpu.memory_space<hbm>>) dst(%arg6 : memref<256xi32, #tpu.memory_space<vmem>>)
        tpu.yield
      }) : () -> ()
    } else {
    }
    %dma_start3A = arith.constant 0 : i32
    %dma_start3A_43 = arith.constant 0 : i32
    %dma_start3A_44 = tpu.memref_slice %arg2[%dma_start3A, %dma_start3A_43] : memref<640x128xf32, #tpu.memory_space<hbm>> -> memref<640x128xf32, #tpu.memory_space<hbm>>
    tpu.enqueue_indirect_dma source(%dma_start3A_44 : memref<640x128xf32, #tpu.memory_space<hbm>>) target(%arg7 : memref<256x128xf32, #tpu.memory_space<vmem>>) offsets(%arg6 : memref<256xi32, #tpu.memory_space<vmem>>) semaphore(%arg8 : memref<!tpu.dma_semaphore, #tpu.memory_space<semaphore_mem>>)
    %dma_wait3A = arith.constant 0 : i32
    %dma_wait3A_45 = arith.constant 0 : i32
    %dma_wait3A_46 = tpu.memref_slice %arg2[%dma_wait3A, %dma_wait3A_45] : memref<640x128xf32, #tpu.memory_space<hbm>> -> memref<640x128xf32, #tpu.memory_space<hbm>>
    tpu.wait_indirect_dma semaphore(%arg8 : memref<!tpu.dma_semaphore, #tpu.memory_space<semaphore_mem>>) src(%dma_wait3A_46 : memref<640x128xf32, #tpu.memory_space<hbm>>) dst(%arg7 : memref<256x128xf32, #tpu.memory_space<vmem>>)
    "tpu.region"() ({
      %run_scoped3A = tpu.sem_alloc : memref<!tpu.dma_semaphore, #tpu.memory_space<semaphore_mem>>
      %dma_start3A_47 = tpu.memref_slice %arg5[%mul3A_32, %mul3A_34] : memref<2048x256xf32, #tpu.memory_space<hbm>> -> memref<256x128xf32, #tpu.memory_space<hbm>>
      %dma_start3A_48 = tpu.memref_slice %arg5[%mul3A_32, %mul3A_34] : memref<2048x256xf32, #tpu.memory_space<hbm>> -> memref<256x128xf32, #tpu.memory_space<hbm>>
      tpu.enqueue_dma source(%arg7 : memref<256x128xf32, #tpu.memory_space<vmem>>) target(%dma_start3A_48 : memref<256x128xf32, #tpu.memory_space<hbm>>) target_semaphore(%run_scoped3A : memref<!tpu.dma_semaphore, #tpu.memory_space<semaphore_mem>>)
      %dma_wait3A_49 = tpu.memref_slice %arg5[%mul3A_32, %mul3A_34] : memref<2048x256xf32, #tpu.memory_space<hbm>> -> memref<256x128xf32, #tpu.memory_space<hbm>>
      %dma_wait3A_50 = tpu.memref_slice %arg5[%mul3A_32, %mul3A_34] : memref<2048x256xf32, #tpu.memory_space<hbm>> -> memref<256x128xf32, #tpu.memory_space<hbm>>
      tpu.wait_dma2 semaphore(%run_scoped3A : memref<!tpu.dma_semaphore, #tpu.memory_space<semaphore_mem>>) src(%arg7 : memref<256x128xf32, #tpu.memory_space<vmem>>) dst(%dma_wait3A_50 : memref<256x128xf32, #tpu.memory_space<hbm>>)
      tpu.yield
    }) : () -> ()
    return
  }
}

module attributes {stable_mosaic.version = 14 : i64} {
  func.func @_tc_body(%arg0: i32, %arg1: memref<512x512xf32, #tpu.memory_space<vmem>>, %arg2: memref<512x640xf32, #tpu.memory_space<vmem>>, %arg3: memref<640xf32, #tpu.memory_space<vmem>>, %arg4: memref<512xi32, #tpu.memory_space<vmem>>, %arg5: memref<512xi32, #tpu.memory_space<vmem>>, %arg6: memref<1x1xf32, #tpu.memory_space<smem>>, %arg7: memref<8x320xf32, #tpu.memory_space<vmem>>) attributes {dimension_semantics = [#tpu.dimension_semantics<arbitrary>], iteration_bounds = array<i64: 4>, scalar_prefetch = 0 : i64, scratch_operands = 1 : i64, tpu.core_type = #tpu.core_type<tc>, window_params = [{transform_indices = @transform_0, window_bounds = array<i64: 512, 512>}, {pipeline_mode = #tpu.pipeline_mode<synchronous>, transform_indices = @transform_1, window_bounds = array<i64: 512, 640>}, {pipeline_mode = #tpu.pipeline_mode<synchronous>, transform_indices = @transform_2, window_bounds = array<i64: 640>}, {transform_indices = @transform_3, window_bounds = array<i64: 512>}, {transform_indices = @transform_4, window_bounds = array<i64: 512>}, {transform_indices = @transform_5, window_bounds = array<i64: 1, 1>}]} {
    %eq3A = arith.constant 0 : i32
    %eq3A_0 = arith.cmpi eq, %arg0, %eq3A : i32
    %convert_element_type3A = arith.extui %eq3A_0 : i1 to i32
    %cond3A = arith.constant 0 : i32
    %cond3A_1 = arith.cmpi ne, %convert_element_type3A, %cond3A : i32
    scf.if %cond3A_1 {
      %broadcast_in_dim3A_74 = arith.constant 0.000000e+00 : f32
      %broadcast_in_dim3A_75 = vector.broadcast %broadcast_in_dim3A_74 : f32 to vector<8x320xf32>
      %swap3A_76 = arith.constant 0 : index
      %swap3A_77 = arith.constant 0 : index
      %swap3A_78 = vector.load %arg7[%swap3A_76, %swap3A_77] : memref<8x320xf32, #tpu.memory_space<vmem>>, vector<8x320xf32>
      tpu.vector_store %arg7[%swap3A_76, %swap3A_77], %broadcast_in_dim3A_75 {strides = array<i32>} : memref<8x320xf32, #tpu.memory_space<vmem>>, vector<8x320xf32>,
    } else {
    }
    %get3A = arith.constant 0 : index
    %get3A_2 = arith.constant 0 : index
    %get3A_3 = vector.load %arg1[%get3A, %get3A_2] : memref<512x512xf32, #tpu.memory_space<vmem>>, vector<512x512xf32>
    %get3A_4 = arith.constant 0 : index
    %get3A_5 = arith.constant 0 : index
    %get3A_6 = vector.load %arg2[%get3A_4, %get3A_5] : memref<512x640xf32, #tpu.memory_space<vmem>>, vector<512x640xf32>
    %dot_general3A = arith.constant dense<0.000000e+00> : vector<512x640xf32>
    %dot_general3A_7 = tpu.matmul %get3A_3, %get3A_6, %dot_general3A {dimension_numbers = #tpu.dot_dimension_numbers<[1], [0], [0], [1], [0, 0, 1, 1], [], []>, transpose_lhs_hint = false} : vector<512x512xf32>, vector<512x640xf32>, vector<512x640xf32> -> vector<512x640xf32>
    %get3A_8 = arith.constant 0 : index
    %get3A_9 = vector.load %arg3[%get3A_8] : memref<640xf32, #tpu.memory_space<vmem>>, vector<640xf32>
    %broadcast_in_dim3A = vector.shape_cast %get3A_9 : vector<640xf32> to vector<1x640xf32>
    %add3A = vector.broadcast %broadcast_in_dim3A : vector<1x640xf32> to vector<512x640xf32>
    %add3A_10 = arith.addf %dot_general3A_7, %add3A : vector<512x640xf32>
    %iota3A = tpu.iota {dimensions = array<i32: 1>} : vector<512x320xi32>
    %convert_element_type3A_11 = arith.sitofp %iota3A : vector<512x320xi32> to vector<512x320xf32>
    %slice3A = vector.extract_strided_slice %add3A_10 {offsets = [0, 0], sizes = [512, 320], strides = [1, 1]} : vector<512x640xf32> to vector<512x320xf32>
    %reduce_max3A = arith.constant dense<0xFF800000> : vector<512xf32>
    %reduce_max3A_12 = vector.multi_reduction <maximumf>, %slice3A, %reduce_max3A [1] : vector<512x320xf32> to vector<512xf32>
    %broadcast_in_dim3A_13 = vector.shape_cast %reduce_max3A_12 : vector<512xf32> to vector<512x1xf32>
    %eq3A_14 = vector.broadcast %broadcast_in_dim3A_13 : vector<512x1xf32> to vector<512x320xf32>
    %eq3A_15 = arith.cmpf oeq, %slice3A, %eq3A_14 : vector<512x320xf32>
    %jit3A = arith.constant 3.200000e+02 : f32
    %broadcast_in_dim3A_16 = vector.broadcast %jit3A : f32 to vector<512x320xf32>
    %select_n3A = arith.select %eq3A_15, %convert_element_type3A_11, %broadcast_in_dim3A_16 : vector<512x320xi1>, vector<512x320xf32>
    %reduce_min3A = arith.constant dense<0x7F800000> : vector<512xf32>
    %reduce_min3A_17 = vector.multi_reduction <minimumf>, %select_n3A, %reduce_min3A [1] : vector<512x320xf32> to vector<512xf32>
    %broadcast_in_dim3A_18 = vector.shape_cast %reduce_min3A_17 : vector<512xf32> to vector<512x1xf32>
    %eq3A_19 = vector.broadcast %broadcast_in_dim3A_18 : vector<512x1xf32> to vector<512x320xf32>
    %eq3A_20 = arith.cmpf oeq, %convert_element_type3A_11, %eq3A_19 : vector<512x320xf32>
    %convert_element_type3A_21 = arith.extui %eq3A_20 : vector<512x320xi1> to vector<512x320xi32>
    %convert_element_type3A_22 = arith.sitofp %convert_element_type3A_21 : vector<512x320xi32> to vector<512x320xf32>
    %get3A_23 = arith.constant 0 : index
    %get3A_24 = arith.constant 0 : index
    %get3A_25 = vector.load %arg7[%get3A_23, %get3A_24] : memref<8x320xf32, #tpu.memory_space<vmem>>, vector<1x320xf32>
    %reduce_sum3A = arith.constant dense<0.000000e+00> : vector<320xf32>
    %reduce_sum3A_26 = vector.multi_reduction <add>, %convert_element_type3A_22, %reduce_sum3A [0] : vector<512x320xf32> to vector<320xf32>
    %broadcast_in_dim3A_27 = vector.shape_cast %reduce_sum3A_26 : vector<320xf32> to vector<1x320xf32>
    %add3A_28 = arith.addf %get3A_25, %broadcast_in_dim3A_27 : vector<1x320xf32>
    %swap3A = arith.constant 0 : index
    %swap3A_29 = arith.constant 0 : index
    %swap3A_30 = vector.load %arg7[%swap3A, %swap3A_29] : memref<8x320xf32, #tpu.memory_space<vmem>>, vector<1x320xf32>
    tpu.vector_store %arg7[%swap3A, %swap3A_29], %add3A_28 {strides = array<i32>} : memref<8x320xf32, #tpu.memory_space<vmem>>, vector<1x320xf32>,
    %convert_element_type3A_31 = arith.fptosi %reduce_min3A_17 : vector<512xf32> to vector<512xi32>
    %add3A_32 = arith.constant 0 : i32
    %add3A_33 = vector.broadcast %add3A_32 : i32 to vector<512xi32>
    %add3A_34 = arith.addi %convert_element_type3A_31, %add3A_33 : vector<512xi32>
    %swap3A_35 = arith.constant 0 : index
    %swap3A_36 = vector.load %arg4[%swap3A_35] : memref<512xi32, #tpu.memory_space<vmem>>, vector<512xi32>
    tpu.vector_store %arg4[%swap3A_35], %add3A_34 {strides = array<i32>} : memref<512xi32, #tpu.memory_space<vmem>>, vector<512xi32>,
    %slice3A_37 = vector.extract_strided_slice %add3A_10 {offsets = [0, 320], sizes = [512, 320], strides = [1, 1]} : vector<512x640xf32> to vector<512x320xf32>
    %reduce_max3A_38 = arith.constant dense<0xFF800000> : vector<512xf32>
    %reduce_max3A_39 = vector.multi_reduction <maximumf>, %slice3A_37, %reduce_max3A_38 [1] : vector<512x320xf32> to vector<512xf32>
    %broadcast_in_dim3A_40 = vector.shape_cast %reduce_max3A_39 : vector<512xf32> to vector<512x1xf32>
    %eq3A_41 = vector.broadcast %broadcast_in_dim3A_40 : vector<512x1xf32> to vector<512x320xf32>
    %eq3A_42 = arith.cmpf oeq, %slice3A_37, %eq3A_41 : vector<512x320xf32>
    %jit3A_43 = arith.constant 3.200000e+02 : f32
    %broadcast_in_dim3A_44 = vector.broadcast %jit3A_43 : f32 to vector<512x320xf32>
    %select_n3A_45 = arith.select %eq3A_42, %convert_element_type3A_11, %broadcast_in_dim3A_44 : vector<512x320xi1>, vector<512x320xf32>
    %reduce_min3A_46 = arith.constant dense<0x7F800000> : vector<512xf32>
    %reduce_min3A_47 = vector.multi_reduction <minimumf>, %select_n3A_45, %reduce_min3A_46 [1] : vector<512x320xf32> to vector<512xf32>
    %broadcast_in_dim3A_48 = vector.shape_cast %reduce_min3A_47 : vector<512xf32> to vector<512x1xf32>
    %eq3A_49 = vector.broadcast %broadcast_in_dim3A_48 : vector<512x1xf32> to vector<512x320xf32>
    %eq3A_50 = arith.cmpf oeq, %convert_element_type3A_11, %eq3A_49 : vector<512x320xf32>
    %convert_element_type3A_51 = arith.extui %eq3A_50 : vector<512x320xi1> to vector<512x320xi32>
    %convert_element_type3A_52 = arith.sitofp %convert_element_type3A_51 : vector<512x320xi32> to vector<512x320xf32>
    %get3A_53 = arith.constant 1 : index
    %get3A_54 = arith.constant 0 : index
    %get3A_55 = vector.load %arg7[%get3A_53, %get3A_54] : memref<8x320xf32, #tpu.memory_space<vmem>>, vector<1x320xf32>
    %reduce_sum3A_56 = arith.constant dense<0.000000e+00> : vector<320xf32>
    %reduce_sum3A_57 = vector.multi_reduction <add>, %convert_element_type3A_52, %reduce_sum3A_56 [0] : vector<512x320xf32> to vector<320xf32>
    %broadcast_in_dim3A_58 = vector.shape_cast %reduce_sum3A_57 : vector<320xf32> to vector<1x320xf32>
    %add3A_59 = arith.addf %get3A_55, %broadcast_in_dim3A_58 : vector<1x320xf32>
    %swap3A_60 = arith.constant 1 : index
    %swap3A_61 = arith.constant 0 : index
    %swap3A_62 = vector.load %arg7[%swap3A_60, %swap3A_61] : memref<8x320xf32, #tpu.memory_space<vmem>>, vector<1x320xf32>
    tpu.vector_store %arg7[%swap3A_60, %swap3A_61], %add3A_59 {strides = array<i32>} : memref<8x320xf32, #tpu.memory_space<vmem>>, vector<1x320xf32>,
    %convert_element_type3A_63 = arith.fptosi %reduce_min3A_47 : vector<512xf32> to vector<512xi32>
    %add3A_64 = arith.constant 320 : i32
    %add3A_65 = vector.broadcast %add3A_64 : i32 to vector<512xi32>
    %add3A_66 = arith.addi %convert_element_type3A_63, %add3A_65 : vector<512xi32>
    %swap3A_67 = arith.constant 0 : index
    %swap3A_68 = vector.load %arg5[%swap3A_67] : memref<512xi32, #tpu.memory_space<vmem>>, vector<512xi32>
    tpu.vector_store %arg5[%swap3A_67], %add3A_66 {strides = array<i32>} : memref<512xi32, #tpu.memory_space<vmem>>, vector<512xi32>,
    %eq3A_69 = arith.constant 3 : i32
    %eq3A_70 = arith.cmpi eq, %arg0, %eq3A_69 : i32
    %convert_element_type3A_71 = arith.extui %eq3A_70 : i1 to i32
    %cond3A_72 = arith.constant 0 : i32
    %cond3A_73 = arith.cmpi ne, %convert_element_type3A_71, %cond3A_72 : i32
    scf.if %cond3A_73 {
      %get3A_74 = arith.constant 0 : index
      %get3A_75 = arith.constant 0 : index
      %get3A_76 = vector.load %arg7[%get3A_74, %get3A_75] : memref<8x320xf32, #tpu.memory_space<vmem>>, vector<2x320xf32>
      %div3A = arith.constant 2.048000e+03 : f32
      %div3A_77 = vector.broadcast %div3A : f32 to vector<2x320xf32>
      %div3A_78 = arith.divf %get3A_76, %div3A_77 : vector<2x320xf32>
      %add3A_79 = arith.constant 1.000000e-07 : f32
      %add3A_80 = vector.broadcast %add3A_79 : f32 to vector<2x320xf32>
      %add3A_81 = arith.addf %div3A_78, %add3A_80 : vector<2x320xf32>
      %log3A = math.log %add3A_81 : vector<2x320xf32>
      %mul3A = arith.mulf %div3A_78, %log3A : vector<2x320xf32>
      %reduce_sum3A_82 = arith.constant dense<0.000000e+00> : vector<2xf32>
      %reduce_sum3A_83 = vector.multi_reduction <add>, %mul3A, %reduce_sum3A_82 [1] : vector<2x320xf32> to vector<2xf32>
      %neg3A = arith.constant 0.000000e+00 : f32
      %neg3A_84 = vector.broadcast %neg3A : f32 to vector<2xf32>
      %neg3A_85 = arith.subf %neg3A_84, %reduce_sum3A_83 : vector<2xf32>
      %exp3A = math.exp %neg3A_85 : vector<2xf32>
      %reduce_sum3A_86 = vector.shape_cast %exp3A : vector<2xf32> to vector<1x2xf32>
      %reduce_sum3A_87 = arith.constant dense<0.000000e+00> : vector<1xf32>
      %reduce_sum3A_88 = vector.multi_reduction <add>, %reduce_sum3A_86, %reduce_sum3A_87 [1] : vector<1x2xf32> to vector<1xf32>
      %reduce_sum3A_89 = vector.shape_cast %reduce_sum3A_88 : vector<1xf32> to vector<1x1xf32>
      %reduce_sum3A_90 = vector.extract %reduce_sum3A_89[0, 0] : f32 from vector<1x1xf32>
      %swap3A_91 = arith.constant 0 : index
      %swap3A_92 = arith.constant 0 : index
      %swap3A_93 = memref.load %arg6[%swap3A_91, %swap3A_92] : memref<1x1xf32, #tpu.memory_space<smem>>
      memref.store %reduce_sum3A_90, %arg6[%swap3A_91, %swap3A_92] : memref<1x1xf32, #tpu.memory_space<smem>>
    } else {
    }
    return
  }
  func.func @transform_0(%arg0: i32) -> (i32, i32) {
    %c0_i32 = arith.constant 0 : i32
    %c0_i32_0 = arith.constant 0 : i32
    return %arg0, %c0_i32 : i32, i32
  }
  func.func @transform_1(%arg0: i32) -> (i32, i32) {
    %c0_i32 = arith.constant 0 : i32
    %c0_i32_0 = arith.constant 0 : i32
    %c0_i32_1 = arith.constant 0 : i32
    return %c0_i32, %c0_i32_0 : i32, i32
  }
  func.func @transform_2(%arg0: i32) -> i32 {
    %c0_i32 = arith.constant 0 : i32
    %c0_i32_0 = arith.constant 0 : i32
    return %c0_i32 : i32
  }
  func.func @transform_3(%arg0: i32) -> i32 {
    %c0_i32 = arith.constant 0 : i32
    return %arg0 : i32
  }
  func.func @transform_4(%arg0: i32) -> i32 {
    %c0_i32 = arith.constant 0 : i32
    return %arg0 : i32
  }
  func.func @transform_5(%arg0: i32) -> (i32, i32) {
    %c0_i32 = arith.constant 0 : i32
    %c0_i32_0 = arith.constant 0 : i32
    %c0_i32_1 = arith.constant 0 : i32
    return %c0_i32, %c0_i32_0 : i32, i32
  }
}

</mosaic_0001>

<sc_bundles>
// kernel: kernel.4.cloned.1.call-start
scs
__scs_entry_jumppad:
0x0: {  	(pc) =	sbr.rel $0x88, $3  }
0x1: {  	(tag) =	ssettag $0x0;
	lr =	simm.s32 $0x1  }
0x2: {  	[smem:$0x3F9D] =	sst lr;
	_ =	strace $0xD0000000  }
0x3: {  	_ = 	snop  }
0x4: {  	_ = 	snop  }
0x5: {  	_ = 	snop  }
0x6: {  	_ = 	snop  }
0x7: {  	_ = 	snop  }
__scs_overlays_trampoline_lowered:
0x8: {  	[smem:$0x3FAC] =	sst s0  }
0x9: {  	[smem:$0x3FAD] =	sst s1  }
0xa: {  	[smem:$0x3FAE] =	sst s2  }
0xb: {  	[smem:$0x3FAF] =	sst s3  }
0xc: {  	[smem:$0x3FB0] =	sst s4  }
0xd: {  	[smem:$0x3FB1] =	sst s5  }
0xe: {  	[smem:$0x3FB2] =	sst s6  }
0xf: {  	[smem:$0x3FB3] =	sst s7  }
0x10: {  	[smem:$0x3FB4] =	sst s8  }
0x11: {  	[smem:$0x3FB5] =	sst s9;
	s0 =	simm.s32 @!p0 $0x0  }
0x12: {  	s1 =	sld [smem:$0x3F9B];
	s0 =	simm.s32 @p0 $0x1  }
0x13: {  	[smem:$0x3FB6] =	sst s0;
	s0 =	simm.s32 @!p1 $0x0  }
0x14: {  	s2 =	sld [smem:$0x3F9A];
	s0 =	simm.s32 @p1 $0x1  }
0x15: {  	[smem:$0x3FB7] =	sst s0;
	s0 =	simm.s32 @!p2 $0x0  }
0x16: {  	s3 =	sld [smem:$0x3FDB];
	s0 =	simm.s32 @p2 $0x1  }
0x17: {  	s4 =	simm.s32 $0x1BF5;
	[smem:$0x3FB9] =	sst s0  }
0x18: {  	s0 =	sld [smem:$0x3F9C];
	_ =	swait.ge [sflag:s4], $0x0  }
0x19: {  	s7 =	sld [smem:$0x3F9D]  }
0x1a: {  	s8 =	sadd.s32 $0xFFFFE003, lr  }
0x1b: {  	s9 =	sadd.s32 $0xFFFFFEF7, lr;
	s5 =	simm.s32 $0xFFFFFFFF;
	p2 =	slt.u32 s8, $0xFFFFF086  }
0x1c: {  	p1 =	slt.u32 s9, $0xF7A;
	s5 =	simm.s32 @!p2 $0x0  }
0x1d: {  	s5 =	simm.s32 @p1 $0x1;
	p0 =	seq.s32 s7, s2  }
0x1e: {  	s7 =	smul.u32 @!p0 $0xF7A, s2;
	p2 =	seq.s32 @!p0 s5, $0x0  }
0x1f: {  	s9 =	smul.u32 $0xF7A, s1;
	s8 =	simm.s32 @!p0 $0x1BF5;
	p2 =	por !p2, p0  }
0x20: {  	[sflag:s8] =	ssyncset.s32 @!p0 $0xFFFFF086;
	s6 =	sadd.s32 @!p0 s3, s7;
	s7 =	simm.s32 @!p0 $0x108  }
0x21: {  	s3 =	sadd.s32 s3, s9;
	s6 =	sadd.s32 @!p0 $0x88, s6;
	s7 =	simm.s32 @p2 $0x1082  }
0x22: {  	[simem:s7], [sflag:s8] =	dma.local @!p0 [hbm:s6], $0xF7A  }
0x23: {  	s9 =	sor.u32 $0xD0000000, s2;
	s6 =	simm.s32 $0x108;
	_ =	swait.ge @!p0 [sflag:s8], $0x0  }
0x24: {  	s3 =	sadd.s32 $0x88, s3;
	s6 =	simm.s32 @!p1 $0x1082;
	[sflag:s4] =	ssyncset.s32 $0xFFFFF086  }
0x25: {  	[simem:s6], [sflag:s4] =	dma.local [hbm:s3], $0xF7A  }
0x26: {  	[smem:$0x3F9D] =	sst s1;
	(tag) =	ssettag s2;
	_ =	strace s9  }
0x27: {  	s1 =	sld [smem:$0x3FAD]  }
0x28: {  	s2 =	sld [smem:$0x3FAE]  }
0x29: {  	s4 =	sld [smem:$0x3FB0]  }
0x2a: {  	p0 =	seq.s32 s5, $0x0;
	s5 =	sld [smem:$0x3FB1]  }
0x2b: {  	s6 =	sld [smem:$0x3FB2]  }
0x2c: {  	s7 =	sld [smem:$0x3FB3]  }
0x2d: {  	s3 =	simm.s32 $0x108;
	s8 =	sld [smem:$0x3FB4]  }
0x2e: {  	s3 =	simm.s32 @!p0 $0x1082;
	s9 =	sld [smem:$0x3FB5]  }
0x2f: {  	lr =	sadd.s32 s0, s3;
	s0 =	sld [smem:$0x3FAC]  }
0x30: {  	s3 =	sld [smem:$0x3FAF]  }
0x31: {  	[smem:$0x3FB8] =	sst s10  }
0x32: {  	s10 =	sld [smem:$0x3FB6];
	_ =	sdelay $0x3  }
0x33: {  	p0 =	seq.s32 s10, $0x1;
	s10 =	sld [smem:$0x3FB8];
	_ =	sdelay $0x3  }
0x34: {  	[smem:$0x3FB8] =	sst s10  }
0x35: {  	s10 =	sld [smem:$0x3FB7];
	_ =	sdelay $0x3  }
0x36: {  	p1 =	seq.s32 s10, $0x1;
	s10 =	sld [smem:$0x3FB8];
	_ =	sdelay $0x3  }
0x37: {  	[smem:$0x3FB8] =	sst s10  }
0x38: {  	s10 =	sld [smem:$0x3FB9]  }
0x39: {  	_ = 	snop;
	(pc) =	sbr.ind lr, $3  }
0x3a: {  	_ = 	snop  }
0x3b: {  	_ = 	snop  }
0x3c: {  	p2 =	seq.s32 s10, $0x1;
	s10 =	sld [smem:$0x3FB8]  }
0x3d: {  	_ =	shalt  }
0x3e: {  	_ =	shalt  }
0x3f: {  	_ =	shalt  }
0x40: {  	_ =	shalt  }
0x41: {  	_ =	shalt  }
0x42: {  	_ =	shalt  }
0x43: {  	_ =	shalt  }
0x44: {  	_ =	shalt  }
0x45: {  	_ =	shalt  }
0x46: {  	_ =	shalt  }
0x47: {  	_ =	shalt  }
0x48: {  	_ =	shalt  }
0x49: {  	_ =	shalt  }
0x4a: {  	_ =	shalt  }
0x4b: {  	_ =	shalt  }
0x4c: {  	_ =	shalt  }
0x4d: {  	_ =	shalt  }
0x4e: {  	_ =	shalt  }
0x4f: {  	_ =	shalt  }
0x50: {  	_ =	shalt  }
0x51: {  	_ =	shalt  }
0x52: {  	_ =	shalt  }
0x53: {  	_ =	shalt  }
0x54: {  	_ =	shalt  }
0x55: {  	_ =	shalt  }
0x56: {  	_ =	shalt  }
0x57: {  	_ =	shalt  }
0x58: {  	_ =	shalt  }
0x59: {  	_ =	shalt  }
0x5a: {  	_ =	shalt  }
0x5b: {  	_ =	shalt  }
0x5c: {  	_ =	shalt  }
0x5d: {  	_ =	shalt  }
0x5e: {  	_ =	shalt  }
0x5f: {  	_ =	shalt  }
0x60: {  	_ =	shalt  }
0x61: {  	_ =	shalt  }
0x62: {  	_ =	shalt  }
0x63: {  	_ =	shalt  }
0x64: {  	_ =	shalt  }
0x65: {  	_ =	shalt  }
0x66: {  	_ =	shalt  }
0x67: {  	_ =	shalt  }
0x68: {  	_ =	shalt  }
0x69: {  	_ =	shalt  }
0x6a: {  	_ =	shalt  }
0x6b: {  	_ =	shalt  }
0x6c: {  	_ =	shalt  }
0x6d: {  	_ =	shalt  }
0x6e: {  	_ =	shalt  }
0x6f: {  	_ =	shalt  }
0x70: {  	_ =	shalt  }
0x71: {  	_ =	shalt  }
0x72: {  	_ =	shalt  }
0x73: {  	_ =	shalt  }
0x74: {  	_ =	shalt  }
0x75: {  	_ =	shalt  }
0x76: {  	_ =	shalt  }
0x77: {  	_ =	shalt  }
0x78: {  	_ =	shalt  }
0x79: {  	_ =	shalt  }
0x7a: {  	_ =	shalt  }
0x7b: {  	_ =	shalt  }
0x7c: {  	_ =	shalt  }
0x7d: {  	_ =	shalt  }
0x7e: {  	_ =	shalt  }
0x7f: {  	_ =	shalt  }
0x80: {  	_ =	shalt  }
0x81: {  	_ =	shalt  }
0x82: {  	_ =	shalt  }
0x83: {  	_ =	shalt  }
0x84: {  	_ =	shalt  }
0x85: {  	_ =	shalt  }
0x86: {  	_ =	shalt  }
0x87: {  	_ =	shalt  }
.Lfunc_end0:
.L_simem_size_0:
called_computation_lowered:
.L_overlay_start_0:
0x88: {  	s0 =	sld [smem:$0x3FD9]  }
0x89: {  	s1 =	sld [smem:$0x3FFE];
	_ =	sdelay $0x3  }
0x8a: {  	s0 =	sadd.s32 s1, s0  }
0x8b: {  	[smem:$0x3FC4] =	sst s0  }
0x8c: {  	_ = 	snop  }
0x8d: {  	s0 =	sld [smem:$0x3FD0];
	_ =	sdelay $0x2  }
0x8e: {  	s2 =	simm.s32 $0xA;
	s3 =	simm.s32 $0x10;
	s13 =	sld [smem:$0x3FC6]  }
0x8f: {  	[smem:s3], [sflag:s2] =	dma.local [hbm:s0], $0x1  }
0x90: {  	_ =	swait.eq [sflag:s2], $0x1  }
0x91: {  	[sflag:s2] =	ssyncset.done $0x0  }
0x92: {  	[sflag:s2] =	ssyncadd.s32 $0xFFFFFFFF  }
0x93: {  	s14 =	sld [smem:$0x10];
	(tm) =	ssettm $0x1  }
0x94: {  	s15 =	sld [smem:$0x3FFB];
	_ =	sdelay $0x3  }
0x95: {  	_ =	strace s15  }
0x96: {  	s2 =	sld [smem:$0x3FFC];
	_ =	sdelay $0x3  }
0x97: {  	_ =	strace s2  }
0x98: {  	s2 =	sld [smem:$0x3FFD];
	_ =	sdelay $0x3  }
0x99: {  	_ =	strace s2  }
0x9a: {  	_ =	strace $0x8FFFFFFF  }
0x9b: {  	s16 =	sld [smem:$0x3FDB];
	_ =	sdelay $0x1  }
0x9c: {  	s17 =	simm.s32 $_scs_section_size  }
0x9d: {  	s4 =	simm.s32 $_size__tile_overlayer_lowered;
	s5 =	simm.s32 $_tile_overlayer_lowered  }
0x9e: {  	s20 =	simm.s32 $0x1BFF;
	s19 =	sshll.u32 s5, $0x1;
	s2 =	sadd.s32 s17, s16  }
0x9f: {  	s6 =	simm.s32 $0x0;
	s18 =	sshll.u32 s4, $0x1;
	s4 =	sadd.s32 s19, s2  }
0xa0: {  	[timem:s6], [sflag:s20] =	dma.local [hbm:s4], s18  }
0xa1: {  	_ =	swait.ge [sflag:s20], s18  }
0xa2: {  	s3 =	ssub.s32 $0x0, s18;
	[sflag:s20] =	ssyncset.done $0x0  }
0xa3: {  	[sflag:s20] =	ssyncadd.s32 s3;
	_ =	sdelay $0x1  }
0xa4: {  	s21 =	simm.s32 $0x1B8B  }
0xa5: {  	_ =	swait.ge [sflag:s21], $0x1  }
0xa6: {  	[sflag:s21] =	ssyncset.done $0x0  }
0xa7: {  	s23 =	simm.s32 $0x1B8E;
	s22 =	sld [smem:$0x3FFE];
	[sflag:s21] =	ssyncadd.s32 $0xFFFFFFFF  }
0xa8: {  	s24 =	simm.s32 $execute0_lowered;
	[smem:$0x3FD2] =	sst s23  }
0xa9: {  	s4 =	sshll.u32 s24, $0x1;
	_ =	strace $0x80000046;
	[dreg:$0x1] =	wrdreg $0xFFFFFFFF  }
0xaa: {  	s25 =	simm.s32 $_size_execute0_lowered;
	s2 =	sadd.s32 s2, s4;
	[dreg:$0x0] =	wrdreg $0x0  }
0xab: {  	s4 =	sshll.u32 s25, $0x1;
	[dreg:$0x2] =	wrdreg s2  }
0xac: {  	[dreg:$0x3] =	wrdreg s4  }
0xad: {  	[dreg:$0x4] =	wrdreg $0xC0  }
0xae: {  	_ =	task [dreg:s6], $0x5FFFF  }
0xaf: {  	[dreg:$0x1] =	wrdreg $0xFFFFFFFF  }
0xb0: {  	[dreg:$0x0] =	wrdreg $0x60  }
0xb1: {  	[dreg:$0x2] =	wrdreg s13  }
0xb2: {  	[dreg:$0x3] =	wrdreg s22  }
0xb3: {  	[dreg:$0x4] =	wrdreg s14  }
0xb4: {  	[dreg:$0x5] =	wrdreg $0x9  }
0xb5: {  	_ =	task.clear_ibuf [dreg:s6], $0x6FFFF;
	_ =	strace $0x90000046  }
0xb6: {  	s26 =	simm.s32 $0x9;
	_ =	strace $0x80000048  }
0xb7: {  	_ =	swait.ge [sflag:s26], $0x1  }
0xb8: {  	[sflag:s26] =	ssyncadd.s32 $0xFFFFFFFF  }
0xb9: {  	_ =	strace $0x90000048  }
0xba: {  	_ =	sfence  }
0xbb: {  	s28 =	sld [smem:$0x0];
	_ =	sdelay $0x1  }
0xbc: {  	s29 =	srdreg.scid  }
0xbd: {  	s30 =	sshll.u32 s29, $0xD;
	s31 =	sshrl.u32 s29, $0x2  }
0xbe: {  	s1 =	sand.u32 $0x1, s29;
	s2 =	sand.u32 $0x4000, s30;
	s0 =	sadd.s32 s31, s28  }
0xbf: {  	s1 =	sor.u32 s2, s1;
	s0 =	sshll.u32 s0, $0x11  }
0xc0: {  	s0 =	sor.u32 s0, s1  }
0xc1: {  	s0 =	sadd.s32 $0x8F2B, s0  }
0xc2: {  	[sflag:s0] =	ssyncadd.remote.s32 $0x1  }
0xc3: {  	_ =	sfence.sel $0xFFFF  }
0xc4: {  	[dreg:$0x0] =	wrdreg $0xFFFFFFFF;
	(pc) =	sbr.abs _section_cstart, $3  }
0xc5: {  	[dreg:$0x1] =	wrdreg $0xFFFFFFFF  }
0xc6: {  	_ =	task.clear_ibuf [dreg:s6], $0x2FFFF;
	_ =	strace $0x9FFFFFFF  }
0xc7: {  	(tm) =	ssettm $0x7FFFFFFF  }
tec
execute0_lowered:
.L_overlay_start_1:
0x0: {  	(tag) =	ssettag $0x1  }
0x1: {  	s0 =	rddreg [dreg:$0x0];
	s1 =	stileid.u32  }
0x2: {  	s2 =	rddreg [dreg:$0x1];
	s3 =	sshrl.u32 s1, $0x3  }
0x3: {  	s4 =	rddreg [dreg:$0x2];
	s5 =	sand.u32 $0x1, s3  }
0x4: {  	s6 =	rddreg [dreg:$0x3];
	p0 =	seq.s32 s5, $0x1;
	s5 =	simm.s32 $0x1200  }
0x5: {  	s7 =	simm.s32 $0x0;
	s8 =	sand.u32 $0x7, s1;
	s5 =	simm.s32 @!p0 $0x1000  }
0x6: {  	[smem:$0x7FF] =	sst s7;
	s9 =	sshll.u32 s8, $0x5;
	s2 =	sadd.s32 s5, s2  }
0x7: {  	s24 =	simm.s32 $0x2;
	_ =	strace $0x80000047;
	s2 =	sadd.s32 s2, s9  }
0x8: {  	[tilespmem:s7], [sflag:$0x2] =	stream.linear.gather [hbm4b:s2+s7], $0x100, $0x38;
	[tilespmem:$0x8100] =	vst v63  }
0x9: {  	_ =	swait.ge [sflag:s24], $0x100  }
0xa: {  	[sflag:s24] =	ssyncset.done $0x0  }
0xb: {  	s25 =	simm.s32 $0x100;
	s28 =	simm.s32 $0x1;
	[sflag:s24] =	ssyncadd.s32 $0xFFFFFF00  }
0xc: {  	[tilespmem:s25], [sflag:$0x1] =	stream.indirect.gather [hbm4b:s0+s25], $0x80, s7, s25, $0xb8;
	[tilespmem:$0x8100] =	vst v63  }
0xd: {  	s30 =	simm.s32 $0x400;
	s26 =	sshll.u32 s3, $0x7;
	_ =	swait.ge [sflag:s28], $0x8000  }
0xe: {  	s29 =	sshll.u32 s8, $0xD;
	s0 =	sadd.s32 s4, s26;
	[sflag:s28] =	ssyncset.done $0x0  }
0xf: {  	s31 =	simm.s32 $0x800;
	s0 =	sadd.s32 s29, s0;
	[sflag:s28] =	ssyncadd.s32 $0xFFFF8000  }
0x10: {  	[hbm4b:s0+s30] =	stream.strided.scatter [tilespmem:s25], [sflag:$0x2], $0x8000, s31, s30, $0x38;
	[tilespmem:$0x8100] =	vst v63  }
0x11: {  	_ =	swait.ge [sflag:s24], $0x8000  }
0x12: {  	[sflag:s24] =	ssyncset.done $0x0  }
0x13: {  	[sflag:s24] =	ssyncadd.s32 $0xFFFF8000  }
0x14: {  	_ =	sfence.sel $0x180000  }
0x15: {  	[bflag:$0x0] =	sbarrier.arrive $0xFFFF  }
0x16: {  	p0 =	sne.s32 s1, $0x0;
	_ =	strace $0x90000047  }
0x17: {  	s0 =	sadd.s32 @!p0 $0x100000, s6;
	[bflag:$0x2] =	sbarrier.arrive $0xFFFF  }
0x18: {  	[sflag:s0] =	ssyncadd.tile.s32 @!p0 $0x1;
	_ =	shalt  }
.Lfunc_end2:
_tile_overlayer_lowered:
.L_overlay_start_2:
0x19: {  	(tag) =	ssettag $0x2  }
0x1a: {  	s0 =	rddreg [dreg:$0x0];
	s2 =	stileid.u32  }
0x1b: {  	s1 =	rddreg [dreg:$0x1];
	p0 =	sne.s32 s2, $0x0  }
0x1c: {  	s3 =	rddreg [dreg:$0x2];
	[bflag:$0x3] =	sbarrier.arrive $0xFFFF;
	s2 =	simm.s32 @!p0 $0x1C02  }
0x1d: {  	[timem:s3], [sflag:s2] =	dma.local @!p0 [hbm:s0], s1  }
0x1e: {  	s0 =	simm.s32 @!p0 $0x2  }
0x1f: {  	_ =	swait.ge @!p0 [sflag:s0], s1  }
0x20: {  	s1 =	ssub.s32 @!p0 $0x0, s1;
	[sflag:s0] =	ssyncset.done @!p0 $0x0  }
0x21: {  	[sflag:s0] =	ssyncadd.s32 @!p0 s1  }
0x22: {  	[bflag:$0x3] =	sbarrier.arrive $0xFFFF  }
0x23: {  	_ =	shalt  }

</sc_bundles>
